<compile_context>
chip_gen: v7x
topology: tpu7x:2x2x1
jax: 0.10.2.dev20260603
libtpu: 0.0.44.dev20260713+nightly
codegen_flags: <defaults>
</compile_context>

<pallas_src>
import functools

import jax
import jax.numpy as jnp
from jax import lax
from jax.experimental import pallas as pl
from jax.experimental.pallas import tpu as pltpu
from jax.experimental.pallas import tpu_sc as plsc

_MESH = plsc.VectorSubcoreMesh(
    core_axis_name="c", subcore_axis_name="s", num_cores=1, num_subcores=2
)


@functools.partial(
    pl.kernel,
    mesh=_MESH,
    out_type=[
        jax.ShapeDtypeStruct((16,), jnp.int32),
        jax.ShapeDtypeStruct((16,), jnp.int32),
    ],
    scratch_types=[
        pltpu.VMEM((16,), jnp.int32),
        pltpu.VMEM((16,), jnp.int32),
    ],
    compiler_params=pltpu.CompilerParams(needs_layout_passes=False),
)
def _argsort_desc_sc(len1_hbm, len2_hbm, out1_hbm, out2_hbm, lens_v, idx_v):
    def sort_one(len_hbm, out_hbm):
        pltpu.sync_copy(len_hbm, lens_v)
        iota = lax.iota(jnp.int32, 16)
        keys = lens_v[...] * 16 + (15 - iota)
        _, idx = plsc.sort_key_val(keys, iota, descending=True)
        idx_v[...] = idx
        pltpu.sync_copy(idx_v, out_hbm)

    sid = lax.axis_index("s")

    @pl.when(sid == 0)
    def _():
        sort_one(len1_hbm, out1_hbm)

    @pl.when(sid == 1)
    def _():
        sort_one(len2_hbm, out2_hbm)


def kernel(sent1, sent2, len1, len2):
    del sent1, sent2
    idx1_sort, idx2_sort = _argsort_desc_sc(len1, len2)
    return (idx1_sort, idx2_sort)

# --- scband reference (transcript-rebuilt; emitter-appended) ---
"""Pipeline reference for scband-rnn-24326694764914 (READ-ONLY COPY).

The authoritative reference and input builder live on the scoring server;
editing this copy changes nothing except your own understanding.
"""

import jax, jax.numpy as jnp
import numpy as np


def setup_inputs(seed: int = 0) -> dict:
    key = jax.random.key(seed)
    k1, k2, k3, k4 = jax.random.split(key, 4)
    sent1 = jax.random.normal(k1, (16, 2048, 512), dtype=jnp.float32)
    sent2 = jax.random.normal(k2, (16, 2048, 512), dtype=jnp.float32)
    len1 = jax.random.randint(k3, (16,), 0, 2048, dtype=jnp.int64 if jax.config.jax_enable_x64 else jnp.int32).astype(jnp.int32)
    len2 = jax.random.randint(k4, (16,), 0, 2048, dtype=jnp.int64 if jax.config.jax_enable_x64 else jnp.int32).astype(jnp.int32)
    return {"sent1": sent1, "sent2": sent2, "len1": len1, "len2": len2}


def reference(sent1, sent2, len1, len2):
    # Faithful translation of the (truncated) torch forward:
    #   _, idx1_sort = torch.sort(len1, dim=0, descending=True)
    #   _, idx2_sort = torch.sort(len2, dim=0, descending=True)
    # torch.sort descending indices == argsort of negated values (stable in jnp).
    idx1_sort = jnp.argsort(-len1, axis=0)
    idx2_sort = jnp.argsort(-len2, axis=0)
    return (idx1_sort, idx2_sort)

if __name__ == "__main__":
    import jax
    _d = setup_inputs()
    print(jax.jit(kernel)(*tuple(_d.values())))

</pallas_src>

<mosaic_0001>
#map = affine_map<(d0, d1) -> (0)>
module attributes {stable_mosaic.version = 14 : i64} {
  func.func @_argsort_desc_sc(%arg0: i32, %arg1: i32, %arg2: memref<16xi32, #tpu.memory_space<hbm>>, %arg3: memref<16xi32, #tpu.memory_space<hbm>>, %arg4: memref<16xi32, #tpu.memory_space<hbm>>, %arg5: memref<16xi32, #tpu.memory_space<hbm>>, %arg6: memref<16xi32, #tpu.memory_space<vmem>>, %arg7: memref<16xi32, #tpu.memory_space<vmem>>) attributes {dimension_semantics = [#tpu.dimension_semantics<core_parallel>, #tpu.dimension_semantics<subcore_parallel>], iteration_bounds = array<i64: 1, 2>, scalar_prefetch = 0 : i64, scratch_operands = 2 : i64, tpu.core_type = #tpu.core_type<sc_vector_subcore>, window_params = [{transform_indices = #map}, {transform_indices = #map}, {transform_indices = #map}, {transform_indices = #map}]} {
    %eq3A = arith.constant 0 : i32
    %eq3A_0 = arith.cmpi eq, %arg1, %eq3A : i32
    %convert_element_type3A = arith.extui %eq3A_0 : i1 to i32
    %cond3A = arith.constant 0 : i32
    %cond3A_1 = arith.cmpi ne, %convert_element_type3A, %cond3A : i32
    scf.if %cond3A_1 {
      "tpu.region"() ({
        %run_scoped3A = tpu.sem_alloc : memref<!tpu.dma_semaphore, #tpu.memory_space<semaphore_mem>>
        tpu.enqueue_dma source(%arg2 : memref<16xi32, #tpu.memory_space<hbm>>) target(%arg6 : memref<16xi32, #tpu.memory_space<vmem>>) target_semaphore(%run_scoped3A : memref<!tpu.dma_semaphore, #tpu.memory_space<semaphore_mem>>)
        tpu.wait_dma2 semaphore(%run_scoped3A : memref<!tpu.dma_semaphore, #tpu.memory_space<semaphore_mem>>) src(%arg2 : memref<16xi32, #tpu.memory_space<hbm>>) dst(%arg6 : memref<16xi32, #tpu.memory_space<vmem>>)
        tpu.yield
      }) : () -> ()
      %iota3A = tpu.iota {dimensions = array<i32: 0>} : vector<16xi32>
      %get3A = arith.constant 0 : index
      %get3A_7 = tpu.vector_load %arg6[%get3A] {strides = array<i32>} : memref<16xi32, #tpu.memory_space<vmem>>, vector<16xi32>,
      %mul3A = arith.constant 16 : i32
      %mul3A_8 = vector.broadcast %mul3A : i32 to vector<16xi32>
      %mul3A_9 = arith.muli %get3A_7, %mul3A_8 : vector<16xi32>
      %sub3A = arith.constant 15 : i32
      %sub3A_10 = vector.broadcast %sub3A : i32 to vector<16xi32>
      %sub3A_11 = arith.subi %sub3A_10, %iota3A : vector<16xi32>
      %add3A = arith.addi %mul3A_9, %sub3A_11 : vector<16xi32>
      %masked_sort3A = arith.constant dense<true> : vector<16xi1>
      %masked_sort3A_12 = arith.constant -2147483648 : i32
      %masked_sort3A_13 = vector.broadcast %masked_sort3A_12 : i32 to vector<16xi32>
      %masked_sort3A_14 = arith.xori %add3A, %masked_sort3A_13 : vector<16xi32>
      %masked_sort3A_15, %masked_sort3A_16, %masked_sort3A_17 = tpu.sort %masked_sort3A_14, %iota3A masked %masked_sort3A {descending = true} : (vector<16xi32>, vector<16xi32>, vector<16xi1>) -> (vector<16xi1>, vector<16xi32>, vector<16xi32>)
      %masked_sort3A_18 = arith.xori %masked_sort3A_16, %masked_sort3A_13 : vector<16xi32>
      %swap3A = arith.constant 0 : index
      %swap3A_19 = tpu.vector_load %arg7[%swap3A] {strides = array<i32>} : memref<16xi32, #tpu.memory_space<vmem>>, vector<16xi32>,
      tpu.vector_store %arg7[%swap3A], %masked_sort3A_17 {strides = array<i32>} : memref<16xi32, #tpu.memory_space<vmem>>, vector<16xi32>,
      "tpu.region"() ({
        %run_scoped3A = tpu.sem_alloc : memref<!tpu.dma_semaphore, #tpu.memory_space<semaphore_mem>>
        tpu.enqueue_dma source(%arg7 : memref<16xi32, #tpu.memory_space<vmem>>) target(%arg4 : memref<16xi32, #tpu.memory_space<hbm>>) target_semaphore(%run_scoped3A : memref<!tpu.dma_semaphore, #tpu.memory_space<semaphore_mem>>)
        tpu.wait_dma2 semaphore(%run_scoped3A : memref<!tpu.dma_semaphore, #tpu.memory_space<semaphore_mem>>) src(%arg7 : memref<16xi32, #tpu.memory_space<vmem>>) dst(%arg4 : memref<16xi32, #tpu.memory_space<hbm>>)
        tpu.yield
      }) : () -> ()
    } else {
    }
    %eq3A_2 = arith.constant 1 : i32
    %eq3A_3 = arith.cmpi eq, %arg1, %eq3A_2 : i32
    %convert_element_type3A_4 = arith.extui %eq3A_3 : i1 to i32
    %cond3A_5 = arith.constant 0 : i32
    %cond3A_6 = arith.cmpi ne, %convert_element_type3A_4, %cond3A_5 : i32
    scf.if %cond3A_6 {
      "tpu.region"() ({
        %run_scoped3A = tpu.sem_alloc : memref<!tpu.dma_semaphore, #tpu.memory_space<semaphore_mem>>
        tpu.enqueue_dma source(%arg3 : memref<16xi32, #tpu.memory_space<hbm>>) target(%arg6 : memref<16xi32, #tpu.memory_space<vmem>>) target_semaphore(%run_scoped3A : memref<!tpu.dma_semaphore, #tpu.memory_space<semaphore_mem>>)
        tpu.wait_dma2 semaphore(%run_scoped3A : memref<!tpu.dma_semaphore, #tpu.memory_space<semaphore_mem>>) src(%arg3 : memref<16xi32, #tpu.memory_space<hbm>>) dst(%arg6 : memref<16xi32, #tpu.memory_space<vmem>>)
        tpu.yield
      }) : () -> ()
      %iota3A = tpu.iota {dimensions = array<i32: 0>} : vector<16xi32>
      %get3A = arith.constant 0 : index
      %get3A_7 = tpu.vector_load %arg6[%get3A] {strides = array<i32>} : memref<16xi32, #tpu.memory_space<vmem>>, vector<16xi32>,
      %mul3A = arith.constant 16 : i32
      %mul3A_8 = vector.broadcast %mul3A : i32 to vector<16xi32>
      %mul3A_9 = arith.muli %get3A_7, %mul3A_8 : vector<16xi32>
      %sub3A = arith.constant 15 : i32
      %sub3A_10 = vector.broadcast %sub3A : i32 to vector<16xi32>
      %sub3A_11 = arith.subi %sub3A_10, %iota3A : vector<16xi32>
      %add3A = arith.addi %mul3A_9, %sub3A_11 : vector<16xi32>
      %masked_sort3A = arith.constant dense<true> : vector<16xi1>
      %masked_sort3A_12 = arith.constant -2147483648 : i32
      %masked_sort3A_13 = vector.broadcast %masked_sort3A_12 : i32 to vector<16xi32>
      %masked_sort3A_14 = arith.xori %add3A, %masked_sort3A_13 : vector<16xi32>
      %masked_sort3A_15, %masked_sort3A_16, %masked_sort3A_17 = tpu.sort %masked_sort3A_14, %iota3A masked %masked_sort3A {descending = true} : (vector<16xi32>, vector<16xi32>, vector<16xi1>) -> (vector<16xi1>, vector<16xi32>, vector<16xi32>)
      %masked_sort3A_18 = arith.xori %masked_sort3A_16, %masked_sort3A_13 : vector<16xi32>
      %swap3A = arith.constant 0 : index
      %swap3A_19 = tpu.vector_load %arg7[%swap3A] {strides = array<i32>} : memref<16xi32, #tpu.memory_space<vmem>>, vector<16xi32>,
      tpu.vector_store %arg7[%swap3A], %masked_sort3A_17 {strides = array<i32>} : memref<16xi32, #tpu.memory_space<vmem>>, vector<16xi32>,
      "tpu.region"() ({
        %run_scoped3A = tpu.sem_alloc : memref<!tpu.dma_semaphore, #tpu.memory_space<semaphore_mem>>
        tpu.enqueue_dma source(%arg7 : memref<16xi32, #tpu.memory_space<vmem>>) target(%arg5 : memref<16xi32, #tpu.memory_space<hbm>>) target_semaphore(%run_scoped3A : memref<!tpu.dma_semaphore, #tpu.memory_space<semaphore_mem>>)
        tpu.wait_dma2 semaphore(%run_scoped3A : memref<!tpu.dma_semaphore, #tpu.memory_space<semaphore_mem>>) src(%arg7 : memref<16xi32, #tpu.memory_space<vmem>>) dst(%arg5 : memref<16xi32, #tpu.memory_space<hbm>>)
        tpu.yield
      }) : () -> ()
    } else {
    }
    return
  }
}

</mosaic_0001>

<sc_bundles>
// kernel: kernel.3.cloned.1.call-start
scs
__scs_entry_jumppad:
0x0: {  	(pc) =	sbr.rel $0x88, $3  }
0x1: {  	(tag) =	ssettag $0x0;
	lr =	simm.s32 $0x1  }
0x2: {  	[smem:$0x3F9F] =	sst lr;
	_ =	strace $0xD0000000  }
0x3: {  	_ = 	snop  }
0x4: {  	_ = 	snop  }
0x5: {  	_ = 	snop  }
0x6: {  	_ = 	snop  }
0x7: {  	_ = 	snop  }
__scs_overlays_trampoline_lowered:
0x8: {  	[smem:$0x3FAE] =	sst s0  }
0x9: {  	[smem:$0x3FAF] =	sst s1  }
0xa: {  	[smem:$0x3FB0] =	sst s2  }
0xb: {  	[smem:$0x3FB1] =	sst s3  }
0xc: {  	[smem:$0x3FB2] =	sst s4  }
0xd: {  	[smem:$0x3FB3] =	sst s5  }
0xe: {  	[smem:$0x3FB4] =	sst s6  }
0xf: {  	[smem:$0x3FB5] =	sst s7  }
0x10: {  	[smem:$0x3FB6] =	sst s8  }
0x11: {  	[smem:$0x3FB7] =	sst s9;
	s0 =	simm.s32 @!p0 $0x0  }
0x12: {  	s1 =	sld [smem:$0x3F9D];
	s0 =	simm.s32 @p0 $0x1  }
0x13: {  	[smem:$0x3FB8] =	sst s0;
	s0 =	simm.s32 @!p1 $0x0  }
0x14: {  	s2 =	sld [smem:$0x3F9C];
	s0 =	simm.s32 @p1 $0x1  }
0x15: {  	[smem:$0x3FB9] =	sst s0;
	s0 =	simm.s32 @!p2 $0x0  }
0x16: {  	s3 =	sld [smem:$0x3FDB];
	s0 =	simm.s32 @p2 $0x1  }
0x17: {  	s4 =	simm.s32 $0x1BF5;
	[smem:$0x3FBB] =	sst s0  }
0x18: {  	s0 =	sld [smem:$0x3F9E];
	_ =	swait.ge [sflag:s4], $0x0  }
0x19: {  	s7 =	sld [smem:$0x3F9F]  }
0x1a: {  	s8 =	sadd.s32 $0xFFFFE003, lr  }
0x1b: {  	s9 =	sadd.s32 $0xFFFFFEF7, lr;
	s5 =	simm.s32 $0xFFFFFFFF;
	p2 =	slt.u32 s8, $0xFFFFF086  }
0x1c: {  	p1 =	slt.u32 s9, $0xF7A;
	s5 =	simm.s32 @!p2 $0x0  }
0x1d: {  	s5 =	simm.s32 @p1 $0x1;
	p0 =	seq.s32 s7, s2  }
0x1e: {  	s7 =	smul.u32 @!p0 $0xF7A, s2;
	p2 =	seq.s32 @!p0 s5, $0x0  }
0x1f: {  	s9 =	smul.u32 $0xF7A, s1;
	s8 =	simm.s32 @!p0 $0x1BF5;
	p2 =	por !p2, p0  }
0x20: {  	[sflag:s8] =	ssyncset.s32 @!p0 $0xFFFFF086;
	s6 =	sadd.s32 @!p0 s3, s7;
	s7 =	simm.s32 @!p0 $0x108  }
0x21: {  	s3 =	sadd.s32 s3, s9;
	s6 =	sadd.s32 @!p0 $0x88, s6;
	s7 =	simm.s32 @p2 $0x1082  }
0x22: {  	[simem:s7], [sflag:s8] =	dma.local @!p0 [hbm:s6], $0xF7A  }
0x23: {  	s9 =	sor.u32 $0xD0000000, s2;
	s6 =	simm.s32 $0x108;
	_ =	swait.ge @!p0 [sflag:s8], $0x0  }
0x24: {  	s3 =	sadd.s32 $0x88, s3;
	s6 =	simm.s32 @!p1 $0x1082;
	[sflag:s4] =	ssyncset.s32 $0xFFFFF086  }
0x25: {  	[simem:s6], [sflag:s4] =	dma.local [hbm:s3], $0xF7A  }
0x26: {  	[smem:$0x3F9F] =	sst s1;
	(tag) =	ssettag s2;
	_ =	strace s9  }
0x27: {  	s1 =	sld [smem:$0x3FAF]  }
0x28: {  	s2 =	sld [smem:$0x3FB0]  }
0x29: {  	s4 =	sld [smem:$0x3FB2]  }
0x2a: {  	p0 =	seq.s32 s5, $0x0;
	s5 =	sld [smem:$0x3FB3]  }
0x2b: {  	s6 =	sld [smem:$0x3FB4]  }
0x2c: {  	s7 =	sld [smem:$0x3FB5]  }
0x2d: {  	s3 =	simm.s32 $0x108;
	s8 =	sld [smem:$0x3FB6]  }
0x2e: {  	s3 =	simm.s32 @!p0 $0x1082;
	s9 =	sld [smem:$0x3FB7]  }
0x2f: {  	lr =	sadd.s32 s0, s3;
	s0 =	sld [smem:$0x3FAE]  }
0x30: {  	s3 =	sld [smem:$0x3FB1]  }
0x31: {  	[smem:$0x3FBA] =	sst s10  }
0x32: {  	s10 =	sld [smem:$0x3FB8];
	_ =	sdelay $0x3  }
0x33: {  	p0 =	seq.s32 s10, $0x1;
	s10 =	sld [smem:$0x3FBA];
	_ =	sdelay $0x3  }
0x34: {  	[smem:$0x3FBA] =	sst s10  }
0x35: {  	s10 =	sld [smem:$0x3FB9];
	_ =	sdelay $0x3  }
0x36: {  	p1 =	seq.s32 s10, $0x1;
	s10 =	sld [smem:$0x3FBA];
	_ =	sdelay $0x3  }
0x37: {  	[smem:$0x3FBA] =	sst s10  }
0x38: {  	s10 =	sld [smem:$0x3FBB]  }
0x39: {  	_ = 	snop;
	(pc) =	sbr.ind lr, $3  }
0x3a: {  	_ = 	snop  }
0x3b: {  	_ = 	snop  }
0x3c: {  	p2 =	seq.s32 s10, $0x1;
	s10 =	sld [smem:$0x3FBA]  }
0x3d: {  	_ =	shalt  }
0x3e: {  	_ =	shalt  }
0x3f: {  	_ =	shalt  }
0x40: {  	_ =	shalt  }
0x41: {  	_ =	shalt  }
0x42: {  	_ =	shalt  }
0x43: {  	_ =	shalt  }
0x44: {  	_ =	shalt  }
0x45: {  	_ =	shalt  }
0x46: {  	_ =	shalt  }
0x47: {  	_ =	shalt  }
0x48: {  	_ =	shalt  }
0x49: {  	_ =	shalt  }
0x4a: {  	_ =	shalt  }
0x4b: {  	_ =	shalt  }
0x4c: {  	_ =	shalt  }
0x4d: {  	_ =	shalt  }
0x4e: {  	_ =	shalt  }
0x4f: {  	_ =	shalt  }
0x50: {  	_ =	shalt  }
0x51: {  	_ =	shalt  }
0x52: {  	_ =	shalt  }
0x53: {  	_ =	shalt  }
0x54: {  	_ =	shalt  }
0x55: {  	_ =	shalt  }
0x56: {  	_ =	shalt  }
0x57: {  	_ =	shalt  }
0x58: {  	_ =	shalt  }
0x59: {  	_ =	shalt  }
0x5a: {  	_ =	shalt  }
0x5b: {  	_ =	shalt  }
0x5c: {  	_ =	shalt  }
0x5d: {  	_ =	shalt  }
0x5e: {  	_ =	shalt  }
0x5f: {  	_ =	shalt  }
0x60: {  	_ =	shalt  }
0x61: {  	_ =	shalt  }
0x62: {  	_ =	shalt  }
0x63: {  	_ =	shalt  }
0x64: {  	_ =	shalt  }
0x65: {  	_ =	shalt  }
0x66: {  	_ =	shalt  }
0x67: {  	_ =	shalt  }
0x68: {  	_ =	shalt  }
0x69: {  	_ =	shalt  }
0x6a: {  	_ =	shalt  }
0x6b: {  	_ =	shalt  }
0x6c: {  	_ =	shalt  }
0x6d: {  	_ =	shalt  }
0x6e: {  	_ =	shalt  }
0x6f: {  	_ =	shalt  }
0x70: {  	_ =	shalt  }
0x71: {  	_ =	shalt  }
0x72: {  	_ =	shalt  }
0x73: {  	_ =	shalt  }
0x74: {  	_ =	shalt  }
0x75: {  	_ =	shalt  }
0x76: {  	_ =	shalt  }
0x77: {  	_ =	shalt  }
0x78: {  	_ =	shalt  }
0x79: {  	_ =	shalt  }
0x7a: {  	_ =	shalt  }
0x7b: {  	_ =	shalt  }
0x7c: {  	_ =	shalt  }
0x7d: {  	_ =	shalt  }
0x7e: {  	_ =	shalt  }
0x7f: {  	_ =	shalt  }
0x80: {  	_ =	shalt  }
0x81: {  	_ =	shalt  }
0x82: {  	_ =	shalt  }
0x83: {  	_ =	shalt  }
0x84: {  	_ =	shalt  }
0x85: {  	_ =	shalt  }
0x86: {  	_ =	shalt  }
0x87: {  	_ =	shalt  }
.Lfunc_end0:
.L_simem_size_0:
called_computation_lowered:
.L_overlay_start_0:
0x88: {  	s0 =	sld [smem:$0x3FD9]  }
0x89: {  	s1 =	sld [smem:$0x3FFE];
	_ =	sdelay $0x3  }
0x8a: {  	s0 =	sadd.s32 s1, s0  }
0x8b: {  	[smem:$0x3FC6] =	sst s0  }
0x8c: {  	_ = 	snop  }
0x8d: {  	s0 =	sld [smem:$0x3FD0];
	_ =	sdelay $0x1  }
0x8e: {  	s14 =	sld [smem:$0x3FC9]  }
0x8f: {  	s3 =	simm.s32 $0xA;
	s4 =	simm.s32 $0x10;
	s2 =	sld [smem:$0x3FC8]  }
0x90: {  	[smem:s4], [sflag:s3] =	dma.local [hbm:s0], $0x1  }
0x91: {  	_ =	swait.eq [sflag:s3], $0x1  }
0x92: {  	[sflag:s3] =	ssyncset.done $0x0  }
0x93: {  	s15 =	sld [smem:$0x10];
	[sflag:s3] =	ssyncadd.s32 $0xFFFFFFFF  }
0x94: {  	s16 =	sld [smem:$0x11];
	(tm) =	ssettm $0x1  }
0x95: {  	s17 =	sld [smem:$0x3FFB];
	_ =	sdelay $0x3  }
0x96: {  	_ =	strace s17  }
0x97: {  	s4 =	sld [smem:$0x3FFC];
	_ =	sdelay $0x3  }
0x98: {  	_ =	strace s4  }
0x99: {  	s4 =	sld [smem:$0x3FFD];
	_ =	sdelay $0x3  }
0x9a: {  	_ =	strace s4  }
0x9b: {  	_ =	strace $0x8FFFFFFF  }
0x9c: {  	s18 =	sld [smem:$0x3FDB];
	_ =	sdelay $0x1  }
0x9d: {  	s5 =	simm.s32 $_scs_section_size  }
0x9e: {  	s6 =	simm.s32 $_size__tile_overlayer_lowered;
	s7 =	simm.s32 $_tile_overlayer_lowered  }
0x9f: {  	s21 =	simm.s32 $0x1BFF;
	s20 =	sshll.u32 s7, $0x1;
	s4 =	sadd.s32 s5, s18  }
0xa0: {  	s8 =	simm.s32 $0x0;
	s19 =	sshll.u32 s6, $0x1;
	s6 =	sadd.s32 s20, s4  }
0xa1: {  	[timem:s8], [sflag:s21] =	dma.local [hbm:s6], s19  }
0xa2: {  	_ =	swait.ge [sflag:s21], s19  }
0xa3: {  	s5 =	ssub.s32 $0x0, s19;
	[sflag:s21] =	ssyncset.done $0x0  }
0xa4: {  	[sflag:s21] =	ssyncadd.s32 s5;
	_ =	sdelay $0x1  }
0xa5: {  	s22 =	simm.s32 $0x1B8B  }
0xa6: {  	_ =	swait.ge [sflag:s22], $0x1  }
0xa7: {  	[sflag:s22] =	ssyncset.done $0x0  }
0xa8: {  	s23 =	simm.s32 $0x1B8E;
	[sflag:s22] =	ssyncadd.s32 $0xFFFFFFFF  }
0xa9: {  	s24 =	simm.s32 $execute0_lowered;
	[smem:$0x3FD2] =	sst s23  }
0xaa: {  	s5 =	sshll.u32 s24, $0x1;
	_ =	strace $0x80000046;
	[dreg:$0x1] =	wrdreg $0xFFFFFFFF  }
0xab: {  	s25 =	simm.s32 $_size_execute0_lowered;
	s4 =	sadd.s32 s4, s5;
	[dreg:$0x0] =	wrdreg $0x0  }
0xac: {  	s5 =	sshll.u32 s25, $0x1;
	[dreg:$0x2] =	wrdreg s4  }
0xad: {  	[dreg:$0x3] =	wrdreg s5  }
0xae: {  	[dreg:$0x4] =	wrdreg $0xC0  }
0xaf: {  	_ =	task [dreg:s8], $0x5FFFF  }
0xb0: {  	[dreg:$0x1] =	wrdreg $0xFFFFFFFF  }
0xb1: {  	[dreg:$0x0] =	wrdreg $0x60  }
0xb2: {  	[dreg:$0x2] =	wrdreg s14  }
0xb3: {  	[dreg:$0x3] =	wrdreg s2  }
0xb4: {  	[dreg:$0x4] =	wrdreg s15  }
0xb5: {  	[dreg:$0x5] =	wrdreg s16  }
0xb6: {  	[dreg:$0x6] =	wrdreg $0x9  }
0xb7: {  	_ =	task.clear_ibuf [dreg:s8], $0x7FFFF;
	_ =	strace $0x90000046  }
0xb8: {  	s26 =	simm.s32 $0x9;
	_ =	strace $0x80000048  }
0xb9: {  	_ =	swait.ge [sflag:s26], $0x1  }
0xba: {  	[sflag:s26] =	ssyncadd.s32 $0xFFFFFFFF  }
0xbb: {  	_ =	strace $0x90000048  }
0xbc: {  	_ =	sfence  }
0xbd: {  	s28 =	sld [smem:$0x0];
	_ =	sdelay $0x1  }
0xbe: {  	s29 =	srdreg.scid  }
0xbf: {  	s30 =	sshll.u32 s29, $0xD;
	s31 =	sshrl.u32 s29, $0x2  }
0xc0: {  	s1 =	sand.u32 $0x1, s29;
	s2 =	sand.u32 $0x4000, s30;
	s0 =	sadd.s32 s31, s28  }
0xc1: {  	s1 =	sor.u32 s2, s1;
	s0 =	sshll.u32 s0, $0x11  }
0xc2: {  	s0 =	sor.u32 s0, s1  }
0xc3: {  	s0 =	sadd.s32 $0x8F2B, s0  }
0xc4: {  	[sflag:s0] =	ssyncadd.remote.s32 $0x1  }
0xc5: {  	_ =	sfence.sel $0xFFFF  }
0xc6: {  	[dreg:$0x0] =	wrdreg $0xFFFFFFFF;
	(pc) =	sbr.abs _section_cstart, $3  }
0xc7: {  	[dreg:$0x1] =	wrdreg $0xFFFFFFFF  }
0xc8: {  	_ =	task.clear_ibuf [dreg:s8], $0x2FFFF;
	_ =	strace $0x9FFFFFFF  }
0xc9: {  	(tm) =	ssettm $0x7FFFFFFF  }
tec
execute0_lowered:
.L_overlay_start_1:
0x0: {  	(tag) =	ssettag $0x1  }
0x1: {  	s0 =	rddreg [dreg:$0x0];
	s1 =	stileid.u32  }
0x2: {  	s2 =	rddreg [dreg:$0x1];
	p0 =	sgt.u32 s1, $0x1  }
0x3: {  	s3 =	rddreg [dreg:$0x2];
	s4 =	sand.u32 @!p0 $0x1, s1  }
0x4: {  	s5 =	rddreg [dreg:$0x3];
	p1 =	seq.s32 @!p0 s4, $0x1  }
0x5: {  	s4 =	rddreg [dreg:$0x4];
	p1 =	por !p1, p0  }
0x6: {  	_ =	strace $0x80000047;
	s2 =	smov.u32 @p1 s0;
	s0 =	simm.s32 @!p0 $0x0  }
0x7: {  	[tilespmem:s0], [sflag:$0x1] =	stream.linear.gather @!p0 [hbm4b:s2+s0], $0x80, $0x38;
	[tilespmem:$0x100] =	vst v63  }
0x8: {  	s2 =	simm.s32 @!p0 $0x1  }
0x9: {  	_ =	swait.ge @!p0 [sflag:s2], $0x80  }
0xa: {  	[sflag:s2] =	ssyncset.done @!p0 $0x0  }
0xb: {  	[sflag:s2] =	ssyncadd.s32 @!p0 $0xFFFFFF80  }
0xc: {  	v0 =	vld @!p0 [tilespmem:$0x0];
	_ =	sdelay $0x1  }
0xd: {  	v1 =	vlaneseq.u32 @!p0  }
0xe: {  	v2 =	vmul.u32 @!p0 $0xFFFFFFFF, v1;
	_ =	sdelay $0x1  }
0xf: {  	v2 =	vadd.s32 @!p0 $0x8000000F, v2;
	v0 =	vshll.u32 @!p0 v0, $0x4  }
0x10: {  	v0 =	vxor.u32 @!p0 v2, v0  }
0x11: {  	(xrf1) =	vsort.dscd.msk.u32 @!p0 $0xffff, v0, v1;
	_ =	sdelay $0xd  }
0x12: {  	_, v0, _ =	vpop @!p0 (xrf1)  }
0x13: {  	s5 =	smov.u32 @p1 s3;
	s3 =	simm.s32 @!p0 $0x80;
	[tilespmem:$0x80] =	vst @!p0 v0  }
0x14: {  	[hbm4b:s5+s0] =	stream.linear.scatter @!p0 [tilespmem:s3], [sflag:$0x1], $0x80, $0x38;
	[tilespmem:$0x100] =	vst v63  }
0x15: {  	_ =	swait.ge @!p0 [sflag:s2], $0x80  }
0x16: {  	[sflag:s2] =	ssyncset.done @!p0 $0x0  }
0x17: {  	[sflag:s2] =	ssyncadd.s32 @!p0 $0xFFFFFF80  }
0x18: {  	_ =	sfence.sel $0x180000  }
0x19: {  	[bflag:$0x0] =	sbarrier.arrive $0xFFFF  }
0x1a: {  	p0 =	sne.s32 s1, $0x0;
	_ =	strace $0x90000047  }
0x1b: {  	s0 =	sadd.s32 @!p0 $0x100000, s4;
	[bflag:$0x2] =	sbarrier.arrive $0xFFFF  }
0x1c: {  	[sflag:s0] =	ssyncadd.tile.s32 @!p0 $0x1;
	_ =	shalt  }
.Lfunc_end2:
_tile_overlayer_lowered:
.L_overlay_start_2:
0x1d: {  	(tag) =	ssettag $0x2  }
0x1e: {  	s0 =	rddreg [dreg:$0x0];
	s2 =	stileid.u32  }
0x1f: {  	s1 =	rddreg [dreg:$0x1];
	p0 =	sne.s32 s2, $0x0  }
0x20: {  	s3 =	rddreg [dreg:$0x2];
	[bflag:$0x3] =	sbarrier.arrive $0xFFFF;
	s2 =	simm.s32 @!p0 $0x1C01  }
0x21: {  	[timem:s3], [sflag:s2] =	dma.local @!p0 [hbm:s0], s1  }
0x22: {  	s0 =	simm.s32 @!p0 $0x1  }
0x23: {  	_ =	swait.ge @!p0 [sflag:s0], s1  }
0x24: {  	s1 =	ssub.s32 @!p0 $0x0, s1;
	[sflag:s0] =	ssyncset.done @!p0 $0x0  }
0x25: {  	[sflag:s0] =	ssyncadd.s32 @!p0 s1  }
0x26: {  	[bflag:$0x3] =	sbarrier.arrive $0xFFFF  }
0x27: {  	_ =	shalt  }

</sc_bundles>
